<compile_context>
chip_gen: v7x
topology: tpu7x:2x2x1
jax: 0.10.2.dev20260603
libtpu: 0.0.44.dev20260713+nightly
codegen_flags: <defaults>
</compile_context>

<pallas_src>
import functools
import jax
import jax.numpy as jnp
from jax import lax
from jax.experimental import pallas as pl
from jax.experimental.pallas import tpu as pltpu
from jax.experimental.pallas import tpu_sc as plsc

_N = 4096
_K1 = 17
_K = 16
_BR = 512
_GRID = _N // _BR

_NC = 2
_NS = 16
_NW = _NC * _NS
_RPW = _N // _NW
_F = 3 * _N
_FS = _F // _NS


def _tc_body(p4_ref, post_ref, dist_ref, idx_ref):
    i = pl.program_id(0)
    base = i * _BR

    acc = jnp.zeros((_BR, _N), jnp.float32)
    for d in range(3):
        row = post_ref[d:d + 1, :]
        col = p4_ref[pl.ds(base, _BR), d:d + 1]
        diff = row - col
        acc = acc + diff * diff
    cur = jnp.sqrt(acc + 1e-8)

    iota = lax.broadcasted_iota(jnp.int32, (_BR, _N), 1)
    iota_k = lax.broadcasted_iota(jnp.int32, (_BR, _K1 + 15), 1)

    def step(m, carry):
        cur, mins, idxs = carry
        mn = jnp.min(cur, axis=1, keepdims=True)
        idx = jnp.min(jnp.where(cur == mn, iota, _N), axis=1, keepdims=True)
        hot = iota_k == m
        mins = mins + jnp.where(hot, mn, 0.0)
        idxs = idxs + jnp.where(hot, idx, 0)
        cur = jnp.where(iota == idx, jnp.inf, cur)
        return cur, mins, idxs

    carry = (cur,
             jnp.zeros((_BR, _K1 + 15), jnp.float32),
             jnp.zeros((_BR, _K1 + 15), jnp.int32))
    _, mins, idxs = lax.fori_loop(0, _K1, step, carry)
    dist_ref[...] = mins
    idx_ref[...] = idxs


def _tc_topk(p4, post):
    return pl.pallas_call(
        _tc_body,
        grid=(_GRID,),
        in_specs=[
            pl.BlockSpec((_N, 4), lambda i: (0, 0)),
            pl.BlockSpec((3, _N), lambda i: (0, 0)),
        ],
        out_specs=[
            pl.BlockSpec((_BR, _K1 + 15), lambda i: (i, 0)),
            pl.BlockSpec((_BR, _K1 + 15), lambda i: (i, 0)),
        ],
        out_shape=[
            jax.ShapeDtypeStruct((_N, _K1 + 15), jnp.float32),
            jax.ShapeDtypeStruct((_N, _K1 + 15), jnp.int32),
        ],
    )(p4, post)


def _sc_grad_kernel(idx_hbm, dist_hbm, pos_hbm, out_hbm,
                    idx_v, dist_v, pos_v, g_v, tbuf_v, rbuf_v, shared):
    c = lax.axis_index("c")
    s = lax.axis_index("s")
    wid = s * _NC + c
    base_row = wid * _RPW

    pltpu.sync_copy(idx_hbm.at[pl.ds(base_row * _K, _RPW * _K)], idx_v)
    pltpu.sync_copy(dist_hbm.at[pl.ds(base_row * _K, _RPW * _K)], dist_v)
    pltpu.sync_copy(pos_hbm, pos_v)

    zero16 = jnp.zeros((16,), jnp.float32)

    def zloop(q, _):
        g_v[pl.ds(q * 16, 16)] = zero16
        return 0

    lax.fori_loop(0, _F // 16, zloop, 0)

    lane = lax.broadcasted_iota(jnp.int32, (16,), 0)

    def row_loop(r, carry):
        cx, cy, cz, cb = carry
        i_loc = cb * 16 + r
        off = i_loc * _K
        j = idx_v[pl.ds(off, 16)]
        dd = dist_v[pl.ds(off, 16)]
        wv = 1.0 / dd
        rv = jnp.zeros((16,), jnp.int32) + (base_row + i_loc)
        pix = plsc.load_gather(pos_v, [rv])
        piy = plsc.load_gather(pos_v, [rv + _N])
        piz = plsc.load_gather(pos_v, [rv + 2 * _N])
        gx = plsc.load_gather(pos_v, [j])
        gy = plsc.load_gather(pos_v, [j + _N])
        gz = plsc.load_gather(pos_v, [j + 2 * _N])
        vx = (gx - pix) * wv
        vy = (gy - piy) * wv
        vz = (gz - piz) * wv
        plsc.addupdate_scatter(g_v, [j], vx)
        plsc.addupdate_scatter(g_v, [j + _N], vy)
        plsc.addupdate_scatter(g_v, [j + 2 * _N], vz)
        hot = lane == r
        cx = cx + jnp.where(hot, -jnp.sum(vx), 0.0)
        cy = cy + jnp.where(hot, -jnp.sum(vy), 0.0)
        cz = cz + jnp.where(hot, -jnp.sum(vz), 0.0)
        return cx, cy, cz, cb

    def chunk_loop(cb, _):
        cx, cy, cz, _ = lax.fori_loop(
            0, 16, row_loop, (zero16, zero16, zero16, cb))
        o = base_row + cb * 16
        g_v[pl.ds(o, 16)] = g_v[pl.ds(o, 16)] + cx
        g_v[pl.ds(o + _N, 16)] = g_v[pl.ds(o + _N, 16)] + cy
        g_v[pl.ds(o + 2 * _N, 16)] = g_v[pl.ds(o + 2 * _N, 16)] + cz
        return 0

    lax.fori_loop(0, _RPW // 16, chunk_loop, 0)

    pltpu.sync_copy(g_v, shared.at[s])
    plsc.subcore_barrier()

    def zr(q, _):
        rbuf_v[pl.ds(q * 16, 16)] = zero16
        return 0

    lax.fori_loop(0, _FS // 16, zr, 0)

    def red_tile(t, _):
        pltpu.sync_copy(shared.at[t, pl.ds(s * _FS, _FS)], tbuf_v)

        def addq(q, _):
            rbuf_v[pl.ds(q * 16, 16)] = (
                rbuf_v[pl.ds(q * 16, 16)] + tbuf_v[pl.ds(q * 16, 16)])
            return 0

        lax.fori_loop(0, _FS // 16, addq, 0)
        return 0

    lax.fori_loop(0, _NS, red_tile, 0)
    pltpu.sync_copy(rbuf_v, out_hbm.at[c, pl.ds(s * _FS, _FS)])


@functools.partial(jax.jit, static_argnames=())
def _sc_grad(idx_flat, dist_flat, pos_flat):
    mesh = plsc.VectorSubcoreMesh(core_axis_name="c", subcore_axis_name="s")
    k = pl.kernel(
        _sc_grad_kernel,
        mesh=mesh,
        compiler_params=pltpu.CompilerParams(needs_layout_passes=False),
        out_type=jax.ShapeDtypeStruct((_NC, _F), jnp.float32),
        scratch_types=[
            pltpu.VMEM((_RPW * _K,), jnp.int32),
            pltpu.VMEM((_RPW * _K,), jnp.float32),
            pltpu.VMEM((_F,), jnp.float32),
            pltpu.VMEM((_F,), jnp.float32),
            pltpu.VMEM((_FS,), jnp.float32),
            pltpu.VMEM((_FS,), jnp.float32),
            pltpu.VMEM_SHARED((_NS, _F), jnp.float32),
        ],
    )
    return k(idx_flat, dist_flat, pos_flat)


def kernel(positions, batch):
    pos = positions.astype(jnp.float32)
    p4 = jnp.concatenate([pos, jnp.ones((_N, 1), jnp.float32)], axis=1)
    post = pos.T

    mins, idxs = _tc_topk(p4, post)
    dist16 = mins[:, 1:_K1]
    idx16 = idxs[:, 1:_K1]

    partials = _sc_grad(idx16.reshape(-1),
                        dist16.reshape(-1),
                        post.reshape(-1))
    g = (partials[0] + partials[1]).reshape(3, _N)
    return (dist16.reshape(1, -1), (g.T,))

# --- scband reference (transcript-rebuilt; emitter-appended) ---
"""Pipeline reference for scband-top-kmodule-48026324304303 (READ-ONLY COPY).

The authoritative reference and input builder live on the scoring server;
editing this copy changes nothing except your own understanding.
"""

import jax, jax.numpy as jnp
import numpy as np

K = 16  # init kwarg k


def setup_inputs(seed: int = 0) -> dict:
    key = jax.random.key(seed)
    k1, k2 = jax.random.split(key)
    positions = jax.random.normal(k1, (4096, 3), dtype=jnp.float32)
    # batch vector (unused by the math, mirrors the torch signature); int32 to avoid x64 flag
    batch = jnp.zeros((4096,), dtype=jnp.int32)
    return {"positions": positions, "batch": batch}


def _pairwise_topk(pos):
    # x_expanded[i, j] = pos[j]; y_expanded[i] = pos[i]; diff[i, j] = pos[j] - pos[i]
    diff = pos[None, :, :] - pos[:, None, :]
    norm = jnp.sum(diff * diff, axis=-1)
    norm = jnp.sqrt(norm + 1e-8)
    # torch.topk(largest=False, sorted=True) == ascending k+1 smallest
    neg_top, col = jax.lax.top_k(-norm, K + 1)
    dist = -neg_top  # [N, K+1] ascending
    dist = dist.reshape(-1)
    dist = dist.reshape(1, -1, K + 1)[:, :, 1:].reshape(1, -1)
    return dist


def reference(positions, batch):
    # forward computes dist AND the grad of dist.sum() wrt positions (torch.autograd.grad inside forward)
    dist = _pairwise_topk(positions)
    grad = jax.grad(lambda p: jnp.sum(_pairwise_topk(p)))(positions)
    return (dist, (grad,))

if __name__ == "__main__":
    import jax
    _d = setup_inputs()
    print(jax.jit(kernel)(*tuple(_d.values())))

</pallas_src>

<mosaic_0001>
#map = affine_map<(d0, d1) -> (0)>
#map1 = affine_map<(d0, d1) -> (0, 0)>
module attributes {stable_mosaic.version = 14 : i64} {
  func.func @_sc_grad_kernel(%arg0: i32, %arg1: i32, %arg2: memref<65536xi32, #tpu.memory_space<hbm>>, %arg3: memref<65536xf32, #tpu.memory_space<hbm>>, %arg4: memref<12288xf32, #tpu.memory_space<hbm>>, %arg5: memref<2x12288xf32, #tpu.memory_space<hbm>>, %arg6: memref<2048xi32, #tpu.memory_space<vmem>>, %arg7: memref<2048xf32, #tpu.memory_space<vmem>>, %arg8: memref<12288xf32, #tpu.memory_space<vmem>>, %arg9: memref<12288xf32, #tpu.memory_space<vmem>>, %arg10: memref<768xf32, #tpu.memory_space<vmem>>, %arg11: memref<768xf32, #tpu.memory_space<vmem>>, %arg12: memref<16x12288xf32, #tpu.memory_space<vmem_shared>>) attributes {dimension_semantics = [#tpu.dimension_semantics<core_parallel>, #tpu.dimension_semantics<subcore_parallel>], iteration_bounds = array<i64: 2, 16>, scalar_prefetch = 0 : i64, scratch_operands = 7 : i64, tpu.core_type = #tpu.core_type<sc_vector_subcore>, window_params = [{transform_indices = #map}, {transform_indices = #map}, {transform_indices = #map}, {transform_indices = #map1}]} {
    %mul3A = arith.constant 2 : i32
    %mul3A_0 = arith.muli %arg1, %mul3A : i32
    %add3A = arith.addi %mul3A_0, %arg0 : i32
    %mul3A_1 = arith.constant 128 : i32
    %mul3A_2 = arith.muli %add3A, %mul3A_1 : i32
    %mul3A_3 = arith.constant 16 : i32
    %mul3A_4 = arith.muli %mul3A_2, %mul3A_3 : i32
    "tpu.region"() ({
      %run_scoped3A = tpu.sem_alloc : memref<!tpu.dma_semaphore, #tpu.memory_space<semaphore_mem>>
      %dma_start3A = tpu.memref_slice %arg2[%mul3A_4] : memref<65536xi32, #tpu.memory_space<hbm>> -> memref<2048xi32, #tpu.memory_space<hbm>>
      %dma_start3A_37 = tpu.memref_slice %arg2[%mul3A_4] : memref<65536xi32, #tpu.memory_space<hbm>> -> memref<2048xi32, #tpu.memory_space<hbm>>
      tpu.enqueue_dma source(%dma_start3A_37 : memref<2048xi32, #tpu.memory_space<hbm>>) target(%arg6 : memref<2048xi32, #tpu.memory_space<vmem>>) target_semaphore(%run_scoped3A : memref<!tpu.dma_semaphore, #tpu.memory_space<semaphore_mem>>)
      %dma_wait3A = tpu.memref_slice %arg2[%mul3A_4] : memref<65536xi32, #tpu.memory_space<hbm>> -> memref<2048xi32, #tpu.memory_space<hbm>>
      %dma_wait3A_38 = tpu.memref_slice %arg2[%mul3A_4] : memref<65536xi32, #tpu.memory_space<hbm>> -> memref<2048xi32, #tpu.memory_space<hbm>>
      tpu.wait_dma2 semaphore(%run_scoped3A : memref<!tpu.dma_semaphore, #tpu.memory_space<semaphore_mem>>) src(%dma_wait3A_38 : memref<2048xi32, #tpu.memory_space<hbm>>) dst(%arg6 : memref<2048xi32, #tpu.memory_space<vmem>>)
      tpu.yield
    }) : () -> ()
    %mul3A_5 = arith.constant 16 : i32
    %mul3A_6 = arith.muli %mul3A_2, %mul3A_5 : i32
    "tpu.region"() ({
      %run_scoped3A = tpu.sem_alloc : memref<!tpu.dma_semaphore, #tpu.memory_space<semaphore_mem>>
      %dma_start3A = tpu.memref_slice %arg3[%mul3A_6] : memref<65536xf32, #tpu.memory_space<hbm>> -> memref<2048xf32, #tpu.memory_space<hbm>>
      %dma_start3A_37 = tpu.memref_slice %arg3[%mul3A_6] : memref<65536xf32, #tpu.memory_space<hbm>> -> memref<2048xf32, #tpu.memory_space<hbm>>
      tpu.enqueue_dma source(%dma_start3A_37 : memref<2048xf32, #tpu.memory_space<hbm>>) target(%arg7 : memref<2048xf32, #tpu.memory_space<vmem>>) target_semaphore(%run_scoped3A : memref<!tpu.dma_semaphore, #tpu.memory_space<semaphore_mem>>)
      %dma_wait3A = tpu.memref_slice %arg3[%mul3A_6] : memref<65536xf32, #tpu.memory_space<hbm>> -> memref<2048xf32, #tpu.memory_space<hbm>>
      %dma_wait3A_38 = tpu.memref_slice %arg3[%mul3A_6] : memref<65536xf32, #tpu.memory_space<hbm>> -> memref<2048xf32, #tpu.memory_space<hbm>>
      tpu.wait_dma2 semaphore(%run_scoped3A : memref<!tpu.dma_semaphore, #tpu.memory_space<semaphore_mem>>) src(%dma_wait3A_38 : memref<2048xf32, #tpu.memory_space<hbm>>) dst(%arg7 : memref<2048xf32, #tpu.memory_space<vmem>>)
      tpu.yield
    }) : () -> ()
    "tpu.region"() ({
      %run_scoped3A = tpu.sem_alloc : memref<!tpu.dma_semaphore, #tpu.memory_space<semaphore_mem>>
      tpu.enqueue_dma source(%arg4 : memref<12288xf32, #tpu.memory_space<hbm>>) target(%arg8 : memref<12288xf32, #tpu.memory_space<vmem>>) target_semaphore(%run_scoped3A : memref<!tpu.dma_semaphore, #tpu.memory_space<semaphore_mem>>)
      tpu.wait_dma2 semaphore(%run_scoped3A : memref<!tpu.dma_semaphore, #tpu.memory_space<semaphore_mem>>) src(%arg4 : memref<12288xf32, #tpu.memory_space<hbm>>) dst(%arg8 : memref<12288xf32, #tpu.memory_space<vmem>>)
      tpu.yield
    }) : () -> ()
    %broadcast_in_dim3A = arith.constant 0.000000e+00 : f32
    %broadcast_in_dim3A_7 = vector.broadcast %broadcast_in_dim3A : f32 to vector<16xf32>
    %scan3A = arith.constant 0 : i32
    %scan3A_8 = arith.constant 0 : i32
    %scan3A_9 = arith.constant 768 : i32
    %scan3A_10 = arith.addi %scan3A_8, %scan3A_9 : i32
    %scan3A_11 = arith.constant 1 : i32
    %scan3A_12 = scf.for %scan3A_37 = %scan3A_8 to %scan3A_10 step %scan3A_11 iter_args(%scan3A_38 = %scan3A) -> (i32)  : i32 {
      %mul3A_39 = arith.constant 16 : i32
      %mul3A_40 = arith.muli %scan3A_37, %mul3A_39 : i32
      %swap3A = arith.index_cast %mul3A_40 : i32 to index
      %swap3A_41 = tpu.vector_load %arg9[%swap3A] {strides = array<i32>} : memref<12288xf32, #tpu.memory_space<vmem>>, vector<16xf32>,
      tpu.vector_store %arg9[%swap3A], %broadcast_in_dim3A_7 {strides = array<i32>} : memref<12288xf32, #tpu.memory_space<vmem>>, vector<16xf32>,
      %scan3A_42 = arith.constant 0 : i32
      scf.yield %scan3A_42 : i32
    }
    %scan3A_13 = arith.constant 768 : i32
    %iota3A = tpu.iota {dimensions = array<i32: 0>} : vector<16xi32>
    %scan3A_14 = arith.constant 0 : i32
    %scan3A_15 = arith.constant 0 : i32
    %scan3A_16 = arith.constant 8 : i32
    %scan3A_17 = arith.addi %scan3A_15, %scan3A_16 : i32
    %scan3A_18 = arith.constant 1 : i32
    %scan3A_19 = scf.for %scan3A_37 = %scan3A_15 to %scan3A_17 step %scan3A_18 iter_args(%scan3A_38 = %scan3A_14) -> (i32)  : i32 {
      %scan3A_39 = arith.constant 0 : i32
      %scan3A_40 = arith.constant 16 : i32
      %scan3A_41 = arith.addi %scan3A_39, %scan3A_40 : i32
      %scan3A_42 = arith.constant 1 : i32
      %scan3A_43:3 = scf.for %scan3A_70 = %scan3A_39 to %scan3A_41 step %scan3A_42 iter_args(%scan3A_71 = %broadcast_in_dim3A_7, %scan3A_72 = %broadcast_in_dim3A_7, %scan3A_73 = %broadcast_in_dim3A_7) -> (vector<16xf32>, vector<16xf32>, vector<16xf32>)  : i32 {
        %mul3A_74 = arith.constant 16 : i32
        %mul3A_75 = arith.muli %scan3A_37, %mul3A_74 : i32
        %add3A_76 = arith.addi %mul3A_75, %scan3A_70 : i32
        %mul3A_77 = arith.constant 16 : i32
        %mul3A_78 = arith.muli %add3A_76, %mul3A_77 : i32
        %get3A_79 = arith.index_cast %mul3A_78 : i32 to index
        %get3A_80 = tpu.vector_load %arg6[%get3A_79] {strides = array<i32>} : memref<2048xi32, #tpu.memory_space<vmem>>, vector<16xi32>,
        %get3A_81 = arith.index_cast %mul3A_78 : i32 to index
        %get3A_82 = tpu.vector_load %arg7[%get3A_81] {strides = array<i32>} : memref<2048xf32, #tpu.memory_space<vmem>>, vector<16xf32>,
        %div3A = arith.constant 1.000000e+00 : f32
        %div3A_83 = vector.broadcast %div3A : f32 to vector<16xf32>
        %div3A_84 = arith.divf %div3A_83, %get3A_82 : vector<16xf32>
        %broadcast_in_dim3A_85 = arith.constant 0 : i32
        %broadcast_in_dim3A_86 = vector.broadcast %broadcast_in_dim3A_85 : i32 to vector<16xi32>
        %add3A_87 = arith.addi %mul3A_2, %add3A_76 : i32
        %add3A_88 = vector.broadcast %add3A_87 : i32 to vector<16xi32>
        %add3A_89 = arith.addi %broadcast_in_dim3A_86, %add3A_88 : vector<16xi32>
        %gather3A = tpu.vector_load_idx %arg8[%add3A_89] : memref<12288xf32, #tpu.memory_space<vmem>>[vector<16xi32>], vector<16xf32>,
        %add3A_90 = arith.constant 4096 : i32
        %add3A_91 = vector.broadcast %add3A_90 : i32 to vector<16xi32>
        %add3A_92 = arith.addi %add3A_89, %add3A_91 : vector<16xi32>
        %gather3A_93 = tpu.vector_load_idx %arg8[%add3A_92] : memref<12288xf32, #tpu.memory_space<vmem>>[vector<16xi32>], vector<16xf32>,
        %add3A_94 = arith.constant 8192 : i32
        %add3A_95 = vector.broadcast %add3A_94 : i32 to vector<16xi32>
        %add3A_96 = arith.addi %add3A_89, %add3A_95 : vector<16xi32>
        %gather3A_97 = tpu.vector_load_idx %arg8[%add3A_96] : memref<12288xf32, #tpu.memory_space<vmem>>[vector<16xi32>], vector<16xf32>,
        %gather3A_98 = tpu.vector_load_idx %arg8[%get3A_80] : memref<12288xf32, #tpu.memory_space<vmem>>[vector<16xi32>], vector<16xf32>,
        %add3A_99 = arith.constant 4096 : i32
        %add3A_100 = vector.broadcast %add3A_99 : i32 to vector<16xi32>
        %add3A_101 = arith.addi %get3A_80, %add3A_100 : vector<16xi32>
        %gather3A_102 = tpu.vector_load_idx %arg8[%add3A_101] : memref<12288xf32, #tpu.memory_space<vmem>>[vector<16xi32>], vector<16xf32>,
        %add3A_103 = arith.constant 8192 : i32
        %add3A_104 = vector.broadcast %add3A_103 : i32 to vector<16xi32>
        %add3A_105 = arith.addi %get3A_80, %add3A_104 : vector<16xi32>
        %gather3A_106 = tpu.vector_load_idx %arg8[%add3A_105] : memref<12288xf32, #tpu.memory_space<vmem>>[vector<16xi32>], vector<16xf32>,
        %sub3A = arith.subf %gather3A_98, %gather3A : vector<16xf32>
        %mul3A_107 = arith.mulf %sub3A, %div3A_84 : vector<16xf32>
        %sub3A_108 = arith.subf %gather3A_102, %gather3A_93 : vector<16xf32>
        %mul3A_109 = arith.mulf %sub3A_108, %div3A_84 : vector<16xf32>
        %sub3A_110 = arith.subf %gather3A_106, %gather3A_97 : vector<16xf32>
        %mul3A_111 = arith.mulf %sub3A_110, %div3A_84 : vector<16xf32>
        tpu.vector_store_idx %arg9[%get3A_80], %mul3A_107 {add = true} : memref<12288xf32, #tpu.memory_space<vmem>>[vector<16xi32>], vector<16xf32>,
        %add3A_112 = arith.constant 4096 : i32
        %add3A_113 = vector.broadcast %add3A_112 : i32 to vector<16xi32>
        %add3A_114 = arith.addi %get3A_80, %add3A_113 : vector<16xi32>
        tpu.vector_store_idx %arg9[%add3A_114], %mul3A_109 {add = true} : memref<12288xf32, #tpu.memory_space<vmem>>[vector<16xi32>], vector<16xf32>,
        %add3A_115 = arith.constant 8192 : i32
        %add3A_116 = vector.broadcast %add3A_115 : i32 to vector<16xi32>
        %add3A_117 = arith.addi %get3A_80, %add3A_116 : vector<16xi32>
        tpu.vector_store_idx %arg9[%add3A_117], %mul3A_111 {add = true} : memref<12288xf32, #tpu.memory_space<vmem>>[vector<16xi32>], vector<16xf32>,
        %eq3A = vector.broadcast %scan3A_70 : i32 to vector<16xi32>
        %eq3A_118 = arith.cmpi eq, %iota3A, %eq3A : vector<16xi32>
        %reduce_sum3A = arith.constant true
        %reduce_sum3A_119 = vector.broadcast %reduce_sum3A : i1 to vector<16xi1>
        %reduce_sum3A_120 = tpu.scan <sum>, %mul3A_107 masked %reduce_sum3A_119 : vector<16xf32>, vector<16xi1> -> vector<16xf32>
        %reduce_sum3A_121 = vector.extract %reduce_sum3A_120[15] : f32 from vector<16xf32>
        %neg3A = arith.constant 0.000000e+00 : f32
        %neg3A_122 = arith.subf %neg3A, %reduce_sum3A_121 : f32
        %jit3A = arith.constant 0.000000e+00 : f32
        %broadcast_in_dim3A_123 = vector.broadcast %neg3A_122 : f32 to vector<16xf32>
        %broadcast_in_dim3A_124 = vector.broadcast %jit3A : f32 to vector<16xf32>
        %select_n3A = arith.select %eq3A_118, %broadcast_in_dim3A_123, %broadcast_in_dim3A_124 : vector<16xi1>, vector<16xf32>
        %add3A_125 = arith.addf %scan3A_71, %select_n3A : vector<16xf32>
        %reduce_sum3A_126 = arith.constant true
        %reduce_sum3A_127 = vector.broadcast %reduce_sum3A_126 : i1 to vector<16xi1>
        %reduce_sum3A_128 = tpu.scan <sum>, %mul3A_109 masked %reduce_sum3A_127 : vector<16xf32>, vector<16xi1> -> vector<16xf32>
        %reduce_sum3A_129 = vector.extract %reduce_sum3A_128[15] : f32 from vector<16xf32>
        %neg3A_130 = arith.constant 0.000000e+00 : f32
        %neg3A_131 = arith.subf %neg3A_130, %reduce_sum3A_129 : f32
        %jit3A_132 = arith.constant 0.000000e+00 : f32
        %broadcast_in_dim3A_133 = vector.broadcast %neg3A_131 : f32 to vector<16xf32>
        %broadcast_in_dim3A_134 = vector.broadcast %jit3A_132 : f32 to vector<16xf32>
        %select_n3A_135 = arith.select %eq3A_118, %broadcast_in_dim3A_133, %broadcast_in_dim3A_134 : vector<16xi1>, vector<16xf32>
        %add3A_136 = arith.addf %scan3A_72, %select_n3A_135 : vector<16xf32>
        %reduce_sum3A_137 = arith.constant true
        %reduce_sum3A_138 = vector.broadcast %reduce_sum3A_137 : i1 to vector<16xi1>
        %reduce_sum3A_139 = tpu.scan <sum>, %mul3A_111 masked %reduce_sum3A_138 : vector<16xf32>, vector<16xi1> -> vector<16xf32>
        %reduce_sum3A_140 = vector.extract %reduce_sum3A_139[15] : f32 from vector<16xf32>
        %neg3A_141 = arith.constant 0.000000e+00 : f32
        %neg3A_142 = arith.subf %neg3A_141, %reduce_sum3A_140 : f32
        %jit3A_143 = arith.constant 0.000000e+00 : f32
        %broadcast_in_dim3A_144 = vector.broadcast %neg3A_142 : f32 to vector<16xf32>
        %broadcast_in_dim3A_145 = vector.broadcast %jit3A_143 : f32 to vector<16xf32>
        %select_n3A_146 = arith.select %eq3A_118, %broadcast_in_dim3A_144, %broadcast_in_dim3A_145 : vector<16xi1>, vector<16xf32>
        %add3A_147 = arith.addf %scan3A_73, %select_n3A_146 : vector<16xf32>
        scf.yield %add3A_125, %add3A_136, %add3A_147 : vector<16xf32>, vector<16xf32>, vector<16xf32>
      }
      %scan3A_44 = arith.constant 16 : i32
      %mul3A_45 = arith.constant 16 : i32
      %mul3A_46 = arith.muli %scan3A_37, %mul3A_45 : i32
      %add3A_47 = arith.addi %mul3A_2, %mul3A_46 : i32
      %get3A = arith.index_cast %add3A_47 : i32 to index
      %get3A_48 = tpu.vector_load %arg9[%get3A] {strides = array<i32>} : memref<12288xf32, #tpu.memory_space<vmem>>, vector<16xf32>,
      %add3A_49 = arith.addf %get3A_48, %scan3A_43#0 : vector<16xf32>
      %swap3A = arith.index_cast %add3A_47 : i32 to index
      %swap3A_50 = tpu.vector_load %arg9[%swap3A] {strides = array<i32>} : memref<12288xf32, #tpu.memory_space<vmem>>, vector<16xf32>,
      tpu.vector_store %arg9[%swap3A], %add3A_49 {strides = array<i32>} : memref<12288xf32, #tpu.memory_space<vmem>>, vector<16xf32>,
      %add3A_51 = arith.constant 4096 : i32
      %add3A_52 = arith.addi %add3A_47, %add3A_51 : i32
      %get3A_53 = arith.index_cast %add3A_52 : i32 to index
      %get3A_54 = tpu.vector_load %arg9[%get3A_53] {strides = array<i32>} : memref<12288xf32, #tpu.memory_space<vmem>>, vector<16xf32>,
      %add3A_55 = arith.addf %get3A_54, %scan3A_43#1 : vector<16xf32>
      %add3A_56 = arith.constant 4096 : i32
      %add3A_57 = arith.addi %add3A_47, %add3A_56 : i32
      %swap3A_58 = arith.index_cast %add3A_57 : i32 to index
      %swap3A_59 = tpu.vector_load %arg9[%swap3A_58] {strides = array<i32>} : memref<12288xf32, #tpu.memory_space<vmem>>, vector<16xf32>,
      tpu.vector_store %arg9[%swap3A_58], %add3A_55 {strides = array<i32>} : memref<12288xf32, #tpu.memory_space<vmem>>, vector<16xf32>,
      %add3A_60 = arith.constant 8192 : i32
      %add3A_61 = arith.addi %add3A_47, %add3A_60 : i32
      %get3A_62 = arith.index_cast %add3A_61 : i32 to index
      %get3A_63 = tpu.vector_load %arg9[%get3A_62] {strides = array<i32>} : memref<12288xf32, #tpu.memory_space<vmem>>, vector<16xf32>,
      %add3A_64 = arith.addf %get3A_63, %scan3A_43#2 : vector<16xf32>
      %add3A_65 = arith.constant 8192 : i32
      %add3A_66 = arith.addi %add3A_47, %add3A_65 : i32
      %swap3A_67 = arith.index_cast %add3A_66 : i32 to index
      %swap3A_68 = tpu.vector_load %arg9[%swap3A_67] {strides = array<i32>} : memref<12288xf32, #tpu.memory_space<vmem>>, vector<16xf32>,
      tpu.vector_store %arg9[%swap3A_67], %add3A_64 {strides = array<i32>} : memref<12288xf32, #tpu.memory_space<vmem>>, vector<16xf32>,
      %scan3A_69 = arith.constant 0 : i32
      scf.yield %scan3A_69 : i32
    }
    %scan3A_20 = arith.constant 8 : i32
    "tpu.region"() ({
      %run_scoped3A = tpu.sem_alloc : memref<!tpu.dma_semaphore, #tpu.memory_space<semaphore_mem>>
      %dma_start3A = arith.constant 0 : i32
      %dma_start3A_37 = tpu.memref_slice %arg12[%arg1, %dma_start3A] : memref<16x12288xf32, #tpu.memory_space<vmem_shared>> -> memref<1x12288xf32, #tpu.memory_space<vmem_shared>>
      %dma_start3A_38 = tpu.memref_squeeze %dma_start3A_37 : memref<1x12288xf32, #tpu.memory_space<vmem_shared>> -> memref<12288xf32, #tpu.memory_space<vmem_shared>>
      %dma_start3A_39 = arith.constant 0 : i32
      %dma_start3A_40 = tpu.memref_slice %arg12[%arg1, %dma_start3A_39] : memref<16x12288xf32, #tpu.memory_space<vmem_shared>> -> memref<1x12288xf32, #tpu.memory_space<vmem_shared>>
      %dma_start3A_41 = tpu.memref_squeeze %dma_start3A_40 : memref<1x12288xf32, #tpu.memory_space<vmem_shared>> -> memref<12288xf32, #tpu.memory_space<vmem_shared>>
      tpu.enqueue_dma source(%arg9 : memref<12288xf32, #tpu.memory_space<vmem>>) target(%dma_start3A_41 : memref<12288xf32, #tpu.memory_space<vmem_shared>>) target_semaphore(%run_scoped3A : memref<!tpu.dma_semaphore, #tpu.memory_space<semaphore_mem>>)
      %dma_wait3A = arith.constant 0 : i32
      %dma_wait3A_42 = tpu.memref_slice %arg12[%arg1, %dma_wait3A] : memref<16x12288xf32, #tpu.memory_space<vmem_shared>> -> memref<1x12288xf32, #tpu.memory_space<vmem_shared>>
      %dma_wait3A_43 = tpu.memref_squeeze %dma_wait3A_42 : memref<1x12288xf32, #tpu.memory_space<vmem_shared>> -> memref<12288xf32, #tpu.memory_space<vmem_shared>>
      %dma_wait3A_44 = arith.constant 0 : i32
      %dma_wait3A_45 = tpu.memref_slice %arg12[%arg1, %dma_wait3A_44] : memref<16x12288xf32, #tpu.memory_space<vmem_shared>> -> memref<1x12288xf32, #tpu.memory_space<vmem_shared>>
      %dma_wait3A_46 = tpu.memref_squeeze %dma_wait3A_45 : memref<1x12288xf32, #tpu.memory_space<vmem_shared>> -> memref<12288xf32, #tpu.memory_space<vmem_shared>>
      tpu.wait_dma2 semaphore(%run_scoped3A : memref<!tpu.dma_semaphore, #tpu.memory_space<semaphore_mem>>) src(%arg9 : memref<12288xf32, #tpu.memory_space<vmem>>) dst(%dma_wait3A_46 : memref<12288xf32, #tpu.memory_space<vmem_shared>>)
      tpu.yield
    }) : () -> ()
    %barrier3A = arith.constant 0 : index
    tpu.barrier barrier_id(%barrier3A)
    %scan3A_21 = arith.constant 0 : i32
    %scan3A_22 = arith.constant 0 : i32
    %scan3A_23 = arith.constant 48 : i32
    %scan3A_24 = arith.addi %scan3A_22, %scan3A_23 : i32
    %scan3A_25 = arith.constant 1 : i32
    %scan3A_26 = scf.for %scan3A_37 = %scan3A_22 to %scan3A_24 step %scan3A_25 iter_args(%scan3A_38 = %scan3A_21) -> (i32)  : i32 {
      %mul3A_39 = arith.constant 16 : i32
      %mul3A_40 = arith.muli %scan3A_37, %mul3A_39 : i32
      %swap3A = arith.index_cast %mul3A_40 : i32 to index
      %swap3A_41 = tpu.vector_load %arg11[%swap3A] {strides = array<i32>} : memref<768xf32, #tpu.memory_space<vmem>>, vector<16xf32>,
      tpu.vector_store %arg11[%swap3A], %broadcast_in_dim3A_7 {strides = array<i32>} : memref<768xf32, #tpu.memory_space<vmem>>, vector<16xf32>,
      %scan3A_42 = arith.constant 0 : i32
      scf.yield %scan3A_42 : i32
    }
    %scan3A_27 = arith.constant 48 : i32
    %scan3A_28 = arith.constant 0 : i32
    %scan3A_29 = arith.constant 0 : i32
    %scan3A_30 = arith.constant 16 : i32
    %scan3A_31 = arith.addi %scan3A_29, %scan3A_30 : i32
    %scan3A_32 = arith.constant 1 : i32
    %scan3A_33 = scf.for %scan3A_37 = %scan3A_29 to %scan3A_31 step %scan3A_32 iter_args(%scan3A_38 = %scan3A_28) -> (i32)  : i32 {
      %mul3A_39 = arith.constant 768 : i32
      %mul3A_40 = arith.muli %arg1, %mul3A_39 : i32
      "tpu.region"() ({
        %run_scoped3A = tpu.sem_alloc : memref<!tpu.dma_semaphore, #tpu.memory_space<semaphore_mem>>
        %dma_start3A = tpu.memref_slice %arg12[%scan3A_37, %mul3A_40] : memref<16x12288xf32, #tpu.memory_space<vmem_shared>> -> memref<1x768xf32, #tpu.memory_space<vmem_shared>>
        %dma_start3A_49 = tpu.memref_squeeze %dma_start3A : memref<1x768xf32, #tpu.memory_space<vmem_shared>> -> memref<768xf32, #tpu.memory_space<vmem_shared>>
        %dma_start3A_50 = tpu.memref_slice %arg12[%scan3A_37, %mul3A_40] : memref<16x12288xf32, #tpu.memory_space<vmem_shared>> -> memref<1x768xf32, #tpu.memory_space<vmem_shared>>
        %dma_start3A_51 = tpu.memref_squeeze %dma_start3A_50 : memref<1x768xf32, #tpu.memory_space<vmem_shared>> -> memref<768xf32, #tpu.memory_space<vmem_shared>>
        tpu.enqueue_dma source(%dma_start3A_51 : memref<768xf32, #tpu.memory_space<vmem_shared>>) target(%arg10 : memref<768xf32, #tpu.memory_space<vmem>>) target_semaphore(%run_scoped3A : memref<!tpu.dma_semaphore, #tpu.memory_space<semaphore_mem>>)
        %dma_wait3A = tpu.memref_slice %arg12[%scan3A_37, %mul3A_40] : memref<16x12288xf32, #tpu.memory_space<vmem_shared>> -> memref<1x768xf32, #tpu.memory_space<vmem_shared>>
        %dma_wait3A_52 = tpu.memref_squeeze %dma_wait3A : memref<1x768xf32, #tpu.memory_space<vmem_shared>> -> memref<768xf32, #tpu.memory_space<vmem_shared>>
        %dma_wait3A_53 = tpu.memref_slice %arg12[%scan3A_37, %mul3A_40] : memref<16x12288xf32, #tpu.memory_space<vmem_shared>> -> memref<1x768xf32, #tpu.memory_space<vmem_shared>>
        %dma_wait3A_54 = tpu.memref_squeeze %dma_wait3A_53 : memref<1x768xf32, #tpu.memory_space<vmem_shared>> -> memref<768xf32, #tpu.memory_space<vmem_shared>>
        tpu.wait_dma2 semaphore(%run_scoped3A : memref<!tpu.dma_semaphore, #tpu.memory_space<semaphore_mem>>) src(%dma_wait3A_54 : memref<768xf32, #tpu.memory_space<vmem_shared>>) dst(%arg10 : memref<768xf32, #tpu.memory_space<vmem>>)
        tpu.yield
      }) : () -> ()
      %scan3A_41 = arith.constant 0 : i32
      %scan3A_42 = arith.constant 0 : i32
      %scan3A_43 = arith.constant 48 : i32
      %scan3A_44 = arith.addi %scan3A_42, %scan3A_43 : i32
      %scan3A_45 = arith.constant 1 : i32
      %scan3A_46 = scf.for %scan3A_49 = %scan3A_42 to %scan3A_44 step %scan3A_45 iter_args(%scan3A_50 = %scan3A_41) -> (i32)  : i32 {
        %mul3A_51 = arith.constant 16 : i32
        %mul3A_52 = arith.muli %scan3A_49, %mul3A_51 : i32
        %get3A = arith.index_cast %mul3A_52 : i32 to index
        %get3A_53 = tpu.vector_load %arg11[%get3A] {strides = array<i32>} : memref<768xf32, #tpu.memory_space<vmem>>, vector<16xf32>,
        %mul3A_54 = arith.constant 16 : i32
        %mul3A_55 = arith.muli %scan3A_49, %mul3A_54 : i32
        %get3A_56 = arith.index_cast %mul3A_55 : i32 to index
        %get3A_57 = tpu.vector_load %arg10[%get3A_56] {strides = array<i32>} : memref<768xf32, #tpu.memory_space<vmem>>, vector<16xf32>,
        %add3A_58 = arith.addf %get3A_53, %get3A_57 : vector<16xf32>
        %mul3A_59 = arith.constant 16 : i32
        %mul3A_60 = arith.muli %scan3A_49, %mul3A_59 : i32
        %swap3A = arith.index_cast %mul3A_60 : i32 to index
        %swap3A_61 = tpu.vector_load %arg11[%swap3A] {strides = array<i32>} : memref<768xf32, #tpu.memory_space<vmem>>, vector<16xf32>,
        tpu.vector_store %arg11[%swap3A], %add3A_58 {strides = array<i32>} : memref<768xf32, #tpu.memory_space<vmem>>, vector<16xf32>,
        %scan3A_62 = arith.constant 0 : i32
        scf.yield %scan3A_62 : i32
      }
      %scan3A_47 = arith.constant 48 : i32
      %scan3A_48 = arith.constant 0 : i32
      scf.yield %scan3A_48 : i32
    }
    %scan3A_34 = arith.constant 16 : i32
    %mul3A_35 = arith.constant 768 : i32
    %mul3A_36 = arith.muli %arg1, %mul3A_35 : i32
    "tpu.region"() ({
      %run_scoped3A = tpu.sem_alloc : memref<!tpu.dma_semaphore, #tpu.memory_space<semaphore_mem>>
      %dma_start3A = tpu.memref_slice %arg5[%arg0, %mul3A_36] : memref<2x12288xf32, #tpu.memory_space<hbm>> -> memref<1x768xf32, #tpu.memory_space<hbm>>
      %dma_start3A_37 = tpu.memref_squeeze %dma_start3A : memref<1x768xf32, #tpu.memory_space<hbm>> -> memref<768xf32, #tpu.memory_space<hbm>>
      %dma_start3A_38 = tpu.memref_slice %arg5[%arg0, %mul3A_36] : memref<2x12288xf32, #tpu.memory_space<hbm>> -> memref<1x768xf32, #tpu.memory_space<hbm>>
      %dma_start3A_39 = tpu.memref_squeeze %dma_start3A_38 : memref<1x768xf32, #tpu.memory_space<hbm>> -> memref<768xf32, #tpu.memory_space<hbm>>
      tpu.enqueue_dma source(%arg11 : memref<768xf32, #tpu.memory_space<vmem>>) target(%dma_start3A_39 : memref<768xf32, #tpu.memory_space<hbm>>) target_semaphore(%run_scoped3A : memref<!tpu.dma_semaphore, #tpu.memory_space<semaphore_mem>>)
      %dma_wait3A = tpu.memref_slice %arg5[%arg0, %mul3A_36] : memref<2x12288xf32, #tpu.memory_space<hbm>> -> memref<1x768xf32, #tpu.memory_space<hbm>>
      %dma_wait3A_40 = tpu.memref_squeeze %dma_wait3A : memref<1x768xf32, #tpu.memory_space<hbm>> -> memref<768xf32, #tpu.memory_space<hbm>>
      %dma_wait3A_41 = tpu.memref_slice %arg5[%arg0, %mul3A_36] : memref<2x12288xf32, #tpu.memory_space<hbm>> -> memref<1x768xf32, #tpu.memory_space<hbm>>
      %dma_wait3A_42 = tpu.memref_squeeze %dma_wait3A_41 : memref<1x768xf32, #tpu.memory_space<hbm>> -> memref<768xf32, #tpu.memory_space<hbm>>
      tpu.wait_dma2 semaphore(%run_scoped3A : memref<!tpu.dma_semaphore, #tpu.memory_space<semaphore_mem>>) src(%arg11 : memref<768xf32, #tpu.memory_space<vmem>>) dst(%dma_wait3A_42 : memref<768xf32, #tpu.memory_space<hbm>>)
      tpu.yield
    }) : () -> ()
    return
  }
}

</mosaic_0001>

<sc_bundles>
// kernel: _sc_grad.3.cloned.1.call-start
scs
__scs_entry_jumppad:
0x0: {  	(pc) =	sbr.rel $0x88, $3  }
0x1: {  	(tag) =	ssettag $0x0;
	lr =	simm.s32 $0x1  }
0x2: {  	[smem:$0x3F9E] =	sst lr;
	_ =	strace $0xD0000000  }
0x3: {  	_ = 	snop  }
0x4: {  	_ = 	snop  }
0x5: {  	_ = 	snop  }
0x6: {  	_ = 	snop  }
0x7: {  	_ = 	snop  }
__scs_overlays_trampoline_lowered:
0x8: {  	[smem:$0x3FAD] =	sst s0  }
0x9: {  	[smem:$0x3FAE] =	sst s1  }
0xa: {  	[smem:$0x3FAF] =	sst s2  }
0xb: {  	[smem:$0x3FB0] =	sst s3  }
0xc: {  	[smem:$0x3FB1] =	sst s4  }
0xd: {  	[smem:$0x3FB2] =	sst s5  }
0xe: {  	[smem:$0x3FB3] =	sst s6  }
0xf: {  	[smem:$0x3FB4] =	sst s7  }
0x10: {  	[smem:$0x3FB5] =	sst s8  }
0x11: {  	[smem:$0x3FB6] =	sst s9;
	s0 =	simm.s32 @!p0 $0x0  }
0x12: {  	s1 =	sld [smem:$0x3F9C];
	s0 =	simm.s32 @p0 $0x1  }
0x13: {  	[smem:$0x3FB7] =	sst s0;
	s0 =	simm.s32 @!p1 $0x0  }
0x14: {  	s2 =	sld [smem:$0x3F9B];
	s0 =	simm.s32 @p1 $0x1  }
0x15: {  	[smem:$0x3FB8] =	sst s0;
	s0 =	simm.s32 @!p2 $0x0  }
0x16: {  	s3 =	sld [smem:$0x3FDB];
	s0 =	simm.s32 @p2 $0x1  }
0x17: {  	s4 =	simm.s32 $0x1BF5;
	[smem:$0x3FBA] =	sst s0  }
0x18: {  	s0 =	sld [smem:$0x3F9D];
	_ =	swait.ge [sflag:s4], $0x0  }
0x19: {  	s7 =	sld [smem:$0x3F9E]  }
0x1a: {  	s8 =	sadd.s32 $0xFFFFE003, lr  }
0x1b: {  	s9 =	sadd.s32 $0xFFFFFEF7, lr;
	s5 =	simm.s32 $0xFFFFFFFF;
	p2 =	slt.u32 s8, $0xFFFFF086  }
0x1c: {  	p1 =	slt.u32 s9, $0xF7A;
	s5 =	simm.s32 @!p2 $0x0  }
0x1d: {  	s5 =	simm.s32 @p1 $0x1;
	p0 =	seq.s32 s7, s2  }
0x1e: {  	s7 =	smul.u32 @!p0 $0xF7A, s2;
	p2 =	seq.s32 @!p0 s5, $0x0  }
0x1f: {  	s9 =	smul.u32 $0xF7A, s1;
	s8 =	simm.s32 @!p0 $0x1BF5;
	p2 =	por !p2, p0  }
0x20: {  	[sflag:s8] =	ssyncset.s32 @!p0 $0xFFFFF086;
	s6 =	sadd.s32 @!p0 s3, s7;
	s7 =	simm.s32 @!p0 $0x108  }
0x21: {  	s3 =	sadd.s32 s3, s9;
	s6 =	sadd.s32 @!p0 $0x88, s6;
	s7 =	simm.s32 @p2 $0x1082  }
0x22: {  	[simem:s7], [sflag:s8] =	dma.local @!p0 [hbm:s6], $0xF7A  }
0x23: {  	s9 =	sor.u32 $0xD0000000, s2;
	s6 =	simm.s32 $0x108;
	_ =	swait.ge @!p0 [sflag:s8], $0x0  }
0x24: {  	s3 =	sadd.s32 $0x88, s3;
	s6 =	simm.s32 @!p1 $0x1082;
	[sflag:s4] =	ssyncset.s32 $0xFFFFF086  }
0x25: {  	[simem:s6], [sflag:s4] =	dma.local [hbm:s3], $0xF7A  }
0x26: {  	[smem:$0x3F9E] =	sst s1;
	(tag) =	ssettag s2;
	_ =	strace s9  }
0x27: {  	s1 =	sld [smem:$0x3FAE]  }
0x28: {  	s2 =	sld [smem:$0x3FAF]  }
0x29: {  	s4 =	sld [smem:$0x3FB1]  }
0x2a: {  	p0 =	seq.s32 s5, $0x0;
	s5 =	sld [smem:$0x3FB2]  }
0x2b: {  	s6 =	sld [smem:$0x3FB3]  }
0x2c: {  	s7 =	sld [smem:$0x3FB4]  }
0x2d: {  	s3 =	simm.s32 $0x108;
	s8 =	sld [smem:$0x3FB5]  }
0x2e: {  	s3 =	simm.s32 @!p0 $0x1082;
	s9 =	sld [smem:$0x3FB6]  }
0x2f: {  	lr =	sadd.s32 s0, s3;
	s0 =	sld [smem:$0x3FAD]  }
0x30: {  	s3 =	sld [smem:$0x3FB0]  }
0x31: {  	[smem:$0x3FB9] =	sst s10  }
0x32: {  	s10 =	sld [smem:$0x3FB7];
	_ =	sdelay $0x3  }
0x33: {  	p0 =	seq.s32 s10, $0x1;
	s10 =	sld [smem:$0x3FB9];
	_ =	sdelay $0x3  }
0x34: {  	[smem:$0x3FB9] =	sst s10  }
0x35: {  	s10 =	sld [smem:$0x3FB8];
	_ =	sdelay $0x3  }
0x36: {  	p1 =	seq.s32 s10, $0x1;
	s10 =	sld [smem:$0x3FB9];
	_ =	sdelay $0x3  }
0x37: {  	[smem:$0x3FB9] =	sst s10  }
0x38: {  	s10 =	sld [smem:$0x3FBA]  }
0x39: {  	_ = 	snop;
	(pc) =	sbr.ind lr, $3  }
0x3a: {  	_ = 	snop  }
0x3b: {  	_ = 	snop  }
0x3c: {  	p2 =	seq.s32 s10, $0x1;
	s10 =	sld [smem:$0x3FB9]  }
0x3d: {  	_ =	shalt  }
0x3e: {  	_ =	shalt  }
0x3f: {  	_ =	shalt  }
0x40: {  	_ =	shalt  }
0x41: {  	_ =	shalt  }
0x42: {  	_ =	shalt  }
0x43: {  	_ =	shalt  }
0x44: {  	_ =	shalt  }
0x45: {  	_ =	shalt  }
0x46: {  	_ =	shalt  }
0x47: {  	_ =	shalt  }
0x48: {  	_ =	shalt  }
0x49: {  	_ =	shalt  }
0x4a: {  	_ =	shalt  }
0x4b: {  	_ =	shalt  }
0x4c: {  	_ =	shalt  }
0x4d: {  	_ =	shalt  }
0x4e: {  	_ =	shalt  }
0x4f: {  	_ =	shalt  }
0x50: {  	_ =	shalt  }
0x51: {  	_ =	shalt  }
0x52: {  	_ =	shalt  }
0x53: {  	_ =	shalt  }
0x54: {  	_ =	shalt  }
0x55: {  	_ =	shalt  }
0x56: {  	_ =	shalt  }
0x57: {  	_ =	shalt  }
0x58: {  	_ =	shalt  }
0x59: {  	_ =	shalt  }
0x5a: {  	_ =	shalt  }
0x5b: {  	_ =	shalt  }
0x5c: {  	_ =	shalt  }
0x5d: {  	_ =	shalt  }
0x5e: {  	_ =	shalt  }
0x5f: {  	_ =	shalt  }
0x60: {  	_ =	shalt  }
0x61: {  	_ =	shalt  }
0x62: {  	_ =	shalt  }
0x63: {  	_ =	shalt  }
0x64: {  	_ =	shalt  }
0x65: {  	_ =	shalt  }
0x66: {  	_ =	shalt  }
0x67: {  	_ =	shalt  }
0x68: {  	_ =	shalt  }
0x69: {  	_ =	shalt  }
0x6a: {  	_ =	shalt  }
0x6b: {  	_ =	shalt  }
0x6c: {  	_ =	shalt  }
0x6d: {  	_ =	shalt  }
0x6e: {  	_ =	shalt  }
0x6f: {  	_ =	shalt  }
0x70: {  	_ =	shalt  }
0x71: {  	_ =	shalt  }
0x72: {  	_ =	shalt  }
0x73: {  	_ =	shalt  }
0x74: {  	_ =	shalt  }
0x75: {  	_ =	shalt  }
0x76: {  	_ =	shalt  }
0x77: {  	_ =	shalt  }
0x78: {  	_ =	shalt  }
0x79: {  	_ =	shalt  }
0x7a: {  	_ =	shalt  }
0x7b: {  	_ =	shalt  }
0x7c: {  	_ =	shalt  }
0x7d: {  	_ =	shalt  }
0x7e: {  	_ =	shalt  }
0x7f: {  	_ =	shalt  }
0x80: {  	_ =	shalt  }
0x81: {  	_ =	shalt  }
0x82: {  	_ =	shalt  }
0x83: {  	_ =	shalt  }
0x84: {  	_ =	shalt  }
0x85: {  	_ =	shalt  }
0x86: {  	_ =	shalt  }
0x87: {  	_ =	shalt  }
.Lfunc_end0:
.L_simem_size_0:
called_computation_lowered:
.L_overlay_start_0:
0x88: {  	s2 =	sld [smem:$0x3FD9]  }
0x89: {  	s3 =	sld [smem:$0x3FFE];
	_ =	sdelay $0x1  }
0x8a: {  	s1 =	srdreg.scid  }
0x8b: {  	s0 =	sand.u32 $0x1, s1  }
0x8c: {  	s18 =	sshll.u32 s0, $0xA;
	s2 =	sadd.s32 s3, s2  }
0x8d: {  	s2 =	sadd.s32 s2, s18  }
0x8e: {  	[smem:$0x3FC5] =	sst s2  }
0x8f: {  	_ = 	snop  }
0x90: {  	s2 =	sld [smem:$0x3FC9]  }
0x91: {  	s19 =	sld [smem:$0x3FC8]  }
0x92: {  	s4 =	sld [smem:$0x3FC7]  }
0x93: {  	s5 =	sld [smem:$0x3FD0];
	(tm) =	ssettm $0x1  }
0x94: {  	s6 =	sld [smem:$0x3FFB];
	_ =	sdelay $0x3  }
0x95: {  	_ =	strace s6  }
0x96: {  	s6 =	sld [smem:$0x3FFC];
	_ =	sdelay $0x3  }
0x97: {  	_ =	strace s6  }
0x98: {  	s6 =	sld [smem:$0x3FFD];
	_ =	sdelay $0x3  }
0x99: {  	_ =	strace s6  }
0x9a: {  	_ =	strace $0x8FFFFFFF  }
0x9b: {  	s20 =	sld [smem:$0x3FDB];
	_ =	sdelay $0x1  }
0x9c: {  	s7 =	simm.s32 $_scs_section_size  }
0x9d: {  	s8 =	simm.s32 $_size__tile_overlayer_lowered;
	s9 =	simm.s32 $_tile_overlayer_lowered  }
0x9e: {  	s23 =	simm.s32 $0x1BFF;
	s22 =	sshll.u32 s9, $0x1;
	s6 =	sadd.s32 s7, s20  }
0x9f: {  	s10 =	simm.s32 $0x0;
	s21 =	sshll.u32 s8, $0x1;
	s8 =	sadd.s32 s22, s6  }
0xa0: {  	[timem:s10], [sflag:s23] =	dma.local [hbm:s8], s21  }
0xa1: {  	_ =	swait.ge [sflag:s23], s21  }
0xa2: {  	s7 =	ssub.s32 $0x0, s21;
	[sflag:s23] =	ssyncset.done $0x0  }
0xa3: {  	[sflag:s23] =	ssyncadd.s32 s7;
	_ =	sdelay $0x1  }
0xa4: {  	s24 =	simm.s32 $0x1B8B  }
0xa5: {  	_ =	swait.ge [sflag:s24], $0x1  }
0xa6: {  	[sflag:s24] =	ssyncset.done $0x0  }
0xa7: {  	s25 =	simm.s32 $0x1B8E;
	[sflag:s24] =	ssyncadd.s32 $0xFFFFFFFF  }
0xa8: {  	s26 =	simm.s32 $execute0_lowered;
	[smem:$0x3FD2] =	sst s25  }
0xa9: {  	s7 =	sshll.u32 s26, $0x1;
	_ =	strace $0x80000046;
	[dreg:$0x1] =	wrdreg $0xFFFFFFFF  }
0xaa: {  	s28 =	simm.s32 $_size_execute0_lowered;
	s6 =	sadd.s32 s6, s7;
	[dreg:$0x0] =	wrdreg $0x0  }
0xab: {  	s7 =	sshll.u32 s28, $0x1;
	[dreg:$0x2] =	wrdreg s6  }
0xac: {  	[dreg:$0x3] =	wrdreg s7  }
0xad: {  	[dreg:$0x4] =	wrdreg $0xC0  }
0xae: {  	_ =	task [dreg:s10], $0x5FFFF  }
0xaf: {  	[dreg:$0x1] =	wrdreg $0xFFFFFFFF  }
0xb0: {  	[dreg:$0x0] =	wrdreg $0x60  }
0xb1: {  	[dreg:$0x2] =	wrdreg s2  }
0xb2: {  	[dreg:$0x3] =	wrdreg s19  }
0xb3: {  	[dreg:$0x4] =	wrdreg s4  }
0xb4: {  	[dreg:$0x5] =	wrdreg s5  }
0xb5: {  	[dreg:$0x6] =	wrdreg $0x76000  }
0xb6: {  	[dreg:$0x7] =	wrdreg $0x9  }
0xb7: {  	_ =	task.clear_ibuf [dreg:s10], $0x8FFFF;
	_ =	strace $0x90000046  }
0xb8: {  	s29 =	simm.s32 $0x9;
	_ =	strace $0x80000048  }
0xb9: {  	_ =	swait.ge [sflag:s29], $0x1  }
0xba: {  	[sflag:s29] =	ssyncadd.s32 $0xFFFFFFFF  }
0xbb: {  	_ =	strace $0x90000048  }
0xbc: {  	_ =	sfence  }
0xbd: {  	s30 =	sld [smem:$0x0];
	_ =	sdelay $0x2  }
0xbe: {  	s31 =	sshll.u32 s1, $0xD;
	s1 =	sshrl.u32 s1, $0x2  }
0xbf: {  	s3 =	sand.u32 $0x4000, s31;
	s1 =	sadd.s32 s1, s30  }
0xc0: {  	s0 =	sor.u32 s3, s0;
	s1 =	sshll.u32 s1, $0x11  }
0xc1: {  	s0 =	sor.u32 s1, s0  }
0xc2: {  	s0 =	sadd.s32 $0x8F2B, s0  }
0xc3: {  	[sflag:s0] =	ssyncadd.remote.s32 $0x1  }
0xc4: {  	_ =	sfence.sel $0xFFFF  }
0xc5: {  	[dreg:$0x0] =	wrdreg $0xFFFFFFFF;
	(pc) =	sbr.abs _section_cstart, $3  }
0xc6: {  	[dreg:$0x1] =	wrdreg $0xFFFFFFFF  }
0xc7: {  	_ =	task.clear_ibuf [dreg:s10], $0x2FFFF;
	_ =	strace $0x9FFFFFFF  }
0xc8: {  	(tm) =	ssettm $0x7FFFFFFF  }
0xc9: {  	_ =	shalt  }
tec
execute0_lowered:
.L_overlay_start_1:
0x0: {  	(tag) =	ssettag $0x1  }
0x1: {  	s0 =	rddreg [dreg:$0x0]  }
0x2: {  	s2 =	rddreg [dreg:$0x1]  }
0x3: {  	s8 =	rddreg [dreg:$0x3]  }
0x4: {  	s7 =	rddreg [dreg:$0x4]  }
0x5: {  	s4 =	srdreg.scid;
	s3 =	simm.s32 $0x0;
	s1 =	stileid.u32  }
0x6: {  	s14 =	simm.s32 $0x4000;
	s15 =	simm.s32 $0x80;
	s16 =	simm.s32 $0x400  }
0x7: {  	s17 =	simm.s32 $0x7000;
	s18 =	simm.s32 $0x100;
	s19 =	simm.s32 $0x7300  }
0x8: {  	s6 =	sand.u32 $0x1, s4;
	[smem:$0x7FF] =	sst s3;
	s5 =	sshll.u32 s1, $0x1  }
0x9: {  	s24 =	sshrl.u32 s1, $0x3;
	s26 =	sshll.u32 s1, $0x7;
	s11 =	smul.u32 $0x600, s1  }
0xa: {  	s12 =	smul.u32 $0x6000, s1;
	s31 =	sshll.u32 s1, $0x8;
	s4 =	ssub.s32 $0x2, s6  }
0xb: {  	_ =	strace $0x80000047;
	s5 =	sor.u32 s6, s5;
	s13 =	sshll.u32 s6, $0x7  }
0xc: {  	s28 =	sand.u32 $0x380, s26;
	s9 =	sshrl.u32 s4, $0x1;
	s10 =	sshll.u32 s5, $0x7  }
0xd: {  	s5 =	sshll.u32 s5, $0x8;
	s29 =	sor.u32 s13, s11;
	s30 =	sshrl.u32 s12, $0x2  }
0xe: {  	s11 =	simm.s32 $0x1;
	s9 =	ssub.s32 s4, s9;
	s4 =	sadd.s32 s0, s5  }
0xf: {  	s5 =	sadd.s32 s2, s5;
	s25 =	sor.u32 $0x4000, s10;
	s0 =	smul.u32 $0x60000, s24  }
0x10: {  	s20 =	sor.u32 $0x5000, s10;
	s21 =	sor.u32 $0x6000, s10;
	s10 =	sshrl.u32 s29, $0x3  }
0x11: {  	s8 =	sadd.s32 s8, s10;
	s9 =	smax.u32 s9, $0x1;
	s0 =	sshrl.u32 s0, $0x2  }
0x12: {  	v0 =	vimm.f32 $0.0e+00;
	v1 =	vlaneseq.u32;
	s10 =	sor.u32 s13, s31;
	s13 =	simm.s32 $0x1000;
	s0 =	sadd.s32 s0, s7  }
0x13: {  	v2 =	vmov s25;
	v3 =	vmov s20;
	v4 =	vmov s21;
	s20 =	simm.s32 $0x0;
	s7 =	sadd.s32 s30, s7;
	s6 =	sadd.s32 s28, s0  }
.LBB2_1:
0x14: {  	[tilespmem:s3], [sflag:$0x1] =	stream.linear.gather [hbm4b:s4+s3], $0x800, $0x38;
	[tilespmem:$0xA600] =	vst v63  }
0x15: {  	_ =	swait.ge [sflag:s11], $0x800  }
0x16: {  	[sflag:s11] =	ssyncset.done $0x0  }
0x17: {  	s0 =	simm.s32 $0x800;
	[sflag:s11] =	ssyncadd.s32 $0xFFFFF800  }
0x18: {  	[tilespmem:s0], [sflag:$0x1] =	stream.linear.gather [hbm4b:s5+s3], $0x800, $0x38;
	[tilespmem:$0xA600] =	vst v63  }
0x19: {  	_ =	swait.ge [sflag:s11], $0x800  }
0x1a: {  	[sflag:s11] =	ssyncset.done $0x0  }
0x1b: {  	[sflag:s11] =	ssyncadd.s32 $0xFFFFF800  }
0x1c: {  	s31 =	rddreg [dreg:$0x2]  }
0x1d: {  	[tilespmem:s13], [sflag:$0x1] =	stream.linear.gather [hbm4b:s31+s3], $0x3000, $0x38;
	[tilespmem:$0xA600] =	vst v63  }
0x1e: {  	_ =	swait.ge [sflag:s11], $0x3000  }
0x1f: {  	[sflag:s11] =	ssyncset.done $0x0  }
0x20: {  	s0 =	simm.s32 $0x0;
	[sflag:s11] =	ssyncadd.s32 $0xFFFFD000  }
.LBB2_2:
0x21: {  	p0 =	sne.s32 s0, $0xBFC0  }
.Ltmp0:
0x22: {  	_ = 	snop;
	(pc) =	sbr.rel @p0 .LBB2_2-.Ltmp0, $3  }
0x23: {  	_ =	sdelay $0x1  }
0x24: {  	s2 =	sshra.s32 s0, $0x2  }
0x25: {  	s0 =	sadd.s32 $0x40, s0;
	[tilespmem:s2+$0x4000] =	vst v0  }
0x26: {  	s21 =	simm.s32 $0x0;
	s22 =	simm.s32 $0x800  }
0x27: {  	s23 =	smov.u32 s10;
	s24 =	simm.s32 $0x0;
	s25 =	simm.s32 $0x0  }
.LBB2_4:
0x28: {  	v6 =	vld [tilespmem:s24+$0x0]  }
0x29: {  	v8 =	vld [tilespmem:s22+$0x0]  }
0x2a: {  	s0 =	sadd.s32 $0x0, s23  }
0x2b: {  	v5 =	vmov s0  }
0x2c: {  	v7 =	vand.u32 $0x7FFFFFFF, v5  }
0x2d: {  	v9 =	vadd.s32 $0x2000, v7  }
0x2e: {  	v7 =	vadd.s32 $0x1000, v7;
	(erf) = vrcp.f32 v8  }
0x2f: {  	v10 =	vadd.s32 $0x1000, v6  }
0x30: {  	v8 =	vadd.s32 $0x2000, v6;
	v5 =	vld.idx.msk [tilespmem:v5+s13+$0x0], $0xffff  }
0x31: {  	v11 =	vld.idx.msk [tilespmem:v6+s13+$0x0], $0xffff  }
0x32: {  	v9 =	vld.idx.msk [tilespmem:v9+s13+$0x0], $0xffff  }
0x33: {  	v7 =	vld.idx.msk [tilespmem:v7+s13+$0x0], $0xffff  }
0x34: {  	v12 =	vld.idx.msk [tilespmem:v10+s13+$0x0], $0xffff  }
0x35: {  	v13 =	vld.idx.msk [tilespmem:v8+s13+$0x0], $0xffff  }
0x36: {  	v5 =	vsub.f32 v11, v5  }
0x37: {  	v11 =	vpop (erf)  }
0x38: {  	v5 =	vmul.f32 v5, v11  }
0x39: {  	v7 =	vsub.f32 v12, v7  }
0x3a: {  	v9 =	vsub.f32 v13, v9;
	(xrf2) =	vadd.scan.msk.f32 $0xffff, v5  }
0x3b: {  	v7 =	vmul.f32 v7, v11  }
0x3c: {  	v9 =	vmul.f32 v9, v11;
	[tilespmem:v6+s14+$0x0] =	vst.idx.add.f32.msk $0xffff, v5  }
0x3d: {  	s2 =	sadd.s32 $0x1, s23;
	[tilespmem:v10+s14+$0x0] =	vst.idx.add.f32.msk $0xffff, v7  }
0x3e: {  	v5 =	vmov s2;
	s2 =	sadd.s32 $0x10, s22;
	[tilespmem:v8+s14+$0x0] =	vst.idx.add.f32.msk $0xffff, v9  }
0x3f: {  	v10 =	vld [tilespmem:s2+$0x0];
	_ =	sdelay $0x3  }
0x40: {  	s12 =	sadd.s32 $0x10, s24  }
0x41: {  	v6 =	vld [tilespmem:s12+$0x0];
	(erf) = vrcp.f32 v10;
	v10, _, _ =	vpop (xrf2)  }
0x42: {  	(v2sf) =	vpush v10, $0xF  }
0x43: {  	(xrf2) =	vadd.scan.msk.f32 $0xffff, v7  }
0x44: {  	v8 =	vand.u32 $0x7FFFFFFF, v5  }
0x45: {  	v7 =	vadd.s32 $0x2000, v8;
	v8 =	vadd.s32 $0x1000, v8  }
0x46: {  	(xrf2) =	vadd.scan.msk.f32 $0xffff, v9;
	v11 =	vadd.s32 $0x1000, v6;
	_ =	sdelay $0x2  }
0x47: {  	v5 =	vld.idx.msk [tilespmem:v5+s13+$0x0], $0xffff;
	v12 =	vadd.s32 $0x2000, v6  }
0x48: {  	v8 =	vld.idx.msk [tilespmem:v8+s13+$0x0], $0xffff  }
0x49: {  	v13 =	vld.idx.msk [tilespmem:v11+s13+$0x0], $0xffff  }
0x4a: {  	v10 =	vld.idx.msk [tilespmem:v6+s13+$0x0], $0xffff  }
0x4b: {  	v7 =	vld.idx.msk [tilespmem:v7+s13+$0x0], $0xffff;
	v14, _, _ =	vpop (xrf2)  }
0x4c: {  	(v2sf) =	vpush v14, $0xF;
	v15 =	vld.idx.msk [tilespmem:v12+s13+$0x0], $0xffff;
	_ =	sdelay $0x1  }
0x4d: {  	v8 =	vsub.f32 v13, v8;
	v13, _, _ =	vpop (xrf2)  }
0x4e: {  	v5 =	vsub.f32 v10, v5;
	s1 =	spop (v2sf);
	(v2sf) =	vpush v13, $0xF  }
0x4f: {  	v9 =	vpop (erf)  }
0x50: {  	v10 =	vmul.f32 v5, v9;
	v5 =	vsub.f32 v15, v7  }
0x51: {  	v8 =	vmul.f32 v8, v9  }
0x52: {  	v9 =	vmul.f32 v5, v9;
	[tilespmem:v6+s14+$0x0] =	vst.idx.add.f32.msk $0xffff, v10  }
0x53: {  	s26 =	sadd.s32 $0x2, s23;
	(xrf2) =	vadd.scan.msk.f32 $0xffff, v10;
	[tilespmem:v11+s14+$0x0] =	vst.idx.add.f32.msk $0xffff, v8  }
0x54: {  	s30 =	sadd.s32 $0x10, s12;
	v11 =	vmov s26;
	[tilespmem:v12+s14+$0x0] =	vst.idx.add.f32.msk $0xffff, v9  }
0x55: {  	v6 =	vand.u32 $0x7FFFFFFF, v11;
	v7 =	vld [tilespmem:s30+$0x0]  }
0x56: {  	(xrf2) =	vadd.scan.msk.f32 $0xffff, v8;
	v12 =	vadd.s32 $0x2000, v6  }
0x57: {  	s31 =	sadd.s32 $0x10, s2;
	v14 =	vmov s21;
	s0 =	ssub.f32 $0.0e+00, s1  }
0x58: {  	vm0 =	veq.s32 v14, v1;
	v14 =	vld [tilespmem:s31+$0x0];
	v13 =	vadd.s32 $0x1000, v6  }
0x59: {  	(xrf2) =	vadd.scan.msk.f32 $0xffff, v9;
	v15 =	vmov s0  }
0x5a: {  	s29 =	simm.s32 $0x1;
	s28 =	simm.s32 $0x2;
	v5 =	vimm.f32 $0.0e+00;
	s12 =	spop (v2sf);
	v10 =	vadd.s32 $0x1000, v7;
	v6 =	vnsel vm0, $0x0, v15  }
0x5b: {  	s26 =	sshll.u32 s25, $0x4;
	s0 =	simm.s32 $0x3;
	s2 =	ssub.f32 $0.0e+00, s12;
	v9 =	vadd.s32 $0x2000, v7;
	v12 =	vld.idx.msk [tilespmem:v12+s13+$0x0], $0xffff;
	v8 =	vadd.f32 v6, v5;
	v6 =	vimm.f32 $0.0e+00  }
.LBB2_5:
0x5c: {  	p0 =	sne.s32 s0, $0xF  }
0x5d: {  	v13 =	vld.idx.msk [tilespmem:v13+s13+$0x0], $0xffff;
	(erf) = vrcp.f32 v14;
	v14, _, _ =	vpop (xrf2);
	s1 =	spop (v2sf);
	s12 =	smov.u32 s0;
	s0 =	sadd.s32 $0x1, s0  }
0x5e: {  	v11 =	vld.idx.msk [tilespmem:v11+s13+$0x0], $0xffff;
	(v2sf) =	vpush v14, $0xF;
	v14 =	vmov s2;
	s1 =	ssub.f32 $0.0e+00, s1  }
0x5f: {  	v15 =	vld.idx.msk [tilespmem:v7+s13+$0x0], $0xffff;
	v14 =	vnsel vm0, $0x0, v14  }
0x60: {  	v16 =	vld.idx.msk [tilespmem:v10+s13+$0x0], $0xffff;
	v17, _, _ =	vpop (xrf2);
	v5 =	vadd.f32 v14, v5;
	v14 =	vmov s1  }
0x61: {  	v18 =	vld.idx.msk [tilespmem:v9+s13+$0x0], $0xffff;
	v19 =	vnsel vm0, $0x0, v14  }
0x62: {  	(v2sf) =	vpush v17, $0xF;
	v6 =	vadd.f32 v19, v6  }
0x63: {  	v14, _, _ =	vpop (xrf2)  }
0x64: {  	(v2sf) =	vpush v14, $0xF  }
0x65: {  	v11 =	vsub.f32 v15, v11  }
0x66: {  	v13 =	vsub.f32 v16, v13;
	v14 =	vpop (erf)  }
0x67: {  	v12 =	vsub.f32 v18, v12;
	v11 =	vmul.f32 v11, v14  }
0x68: {  	v13 =	vmul.f32 v13, v14  }
0x69: {  	v12 =	vmul.f32 v12, v14;
	[tilespmem:v7+s14+$0x0] =	vst.idx.add.f32.msk $0xffff, v11;
	(xrf2) =	vadd.scan.msk.f32 $0xffff, v11  }
0x6a: {  	s1 =	sadd.s32 s12, s23;
	[tilespmem:v10+s14+$0x0] =	vst.idx.add.f32.msk $0xffff, v13  }
0x6b: {  	s30 =	sadd.s32 $0x10, s30;
	v11 =	vmov s1;
	[tilespmem:v9+s14+$0x0] =	vst.idx.add.f32.msk $0xffff, v12  }
0x6c: {  	v9 =	vand.u32 $0x7FFFFFFF, v11;
	v7 =	vld [tilespmem:s30+$0x0];
	(xrf2) =	vadd.scan.msk.f32 $0xffff, v13  }
0x6d: {  	s31 =	sadd.s32 $0x10, s31;
	v15 =	vadd.s32 $0x2000, v9;
	s1 =	spop (v2sf)  }
.Ltmp1:
0x6e: {  	v13 =	vadd.s32 $0x1000, v9;
	v14 =	vld [tilespmem:s31+$0x0];
	s1 =	ssub.f32 $0.0e+00, s1;
	(pc) =	sbr.rel @p0 .LBB2_5-.Ltmp1, $4  }
0x6f: {  	v9 =	vmov s29;
	s29 =	smov.u32 s28;
	s28 =	smov.u32 s12;
	(xrf2) =	vadd.scan.msk.f32 $0xffff, v12  }
0x70: {  	vm0 =	veq.s32 v9, v1;
	v12 =	vmov s1  }
0x71: {  	v10 =	vadd.s32 $0x1000, v7;
	v9 =	vadd.s32 $0x2000, v7;
	v16 =	vnsel vm0, $0x0, v12;
	s1 =	spop (v2sf)  }
0x72: {  	v12 =	vld.idx.msk [tilespmem:v15+s13+$0x0], $0xffff;
	v8 =	vadd.f32 v16, v8;
	s2 =	ssub.f32 $0.0e+00, s1  }
0x73: {  	_ =	sdelay $0x1  }
0x74: {  	(erf) = vrcp.f32 v14;
	_ =	sdelay $0x1  }
0x75: {  	v11 =	vld.idx.msk [tilespmem:v11+s13+$0x0], $0xffff  }
0x76: {  	v49 =	vld.idx.msk [tilespmem:v7+s13+$0x0], $0xffff;
	_ =	sdelay $0x4  }
0x77: {  	v11 =	vsub.f32 v49, v11  }
0x78: {  	v50 =	vpop (erf)  }
0x79: {  	v13 =	vld.idx.msk [tilespmem:v13+s13+$0x0], $0xffff;
	v11 =	vmul.f32 v11, v50  }
0x7a: {  	v15 =	vld.idx.msk [tilespmem:v10+s13+$0x0], $0xffff  }
0x7b: {  	(xrf2) =	vadd.scan.msk.f32 $0xffff, v11;
	_ =	sdelay $0x3  }
0x7c: {  	v13 =	vsub.f32 v15, v13;
	_ =	sdelay $0x1  }
0x7d: {  	v13 =	vmul.f32 v13, v50  }
0x7e: {  	v51, _, _ =	vpop (xrf2);
	v16 =	vld.idx.msk [tilespmem:v9+s13+$0x0], $0xffff  }
0x7f: {  	(v2sf) =	vpush v51, $0xF;
	v52, _, _ =	vpop (xrf2);
	(xrf2) =	vadd.scan.msk.f32 $0xffff, v13  }
0x80: {  	(v2sf) =	vpush v52, $0xF;
	v53, _, _ =	vpop (xrf2)  }
0x81: {  	(v2sf) =	vpush v53, $0xF;
	v54, _, _ =	vpop (xrf2)  }
0x82: {  	(v2sf) =	vpush v54, $0xF  }
0x83: {  	v12 =	vsub.f32 v16, v12;
	_ =	sdelay $0x1  }
0x84: {  	v12 =	vmul.f32 v12, v50;
	_ =	sdelay $0x1  }
0x85: {  	(xrf2) =	vadd.scan.msk.f32 $0xffff, v12;
	_ =	sdelay $0x1  }
0x86: {  	v55, _, _ =	vpop (xrf2)  }
0x87: {  	(v2sf) =	vpush v55, $0xF;
	_ =	sdelay $0x2  }
0x88: {  	s0 =	spop (v2sf)  }
0x89: {  	s1 =	spop (v2sf)  }
0x8a: {  	s12 =	spop (v2sf)  }
0x8b: {  	[tilespmem:v7+s14+$0x0] =	vst.idx.add.f32.msk $0xffff, v11;
	s1 =	ssub.f32 $0.0e+00, s1;
	s30 =	spop (v2sf)  }
0x8c: {  	v7 =	vmov s29;
	[tilespmem:v10+s14+$0x0] =	vst.idx.add.f32.msk $0xffff, v13;
	v56, _, _ =	vpop (xrf2);
	s31 =	spop (v2sf)  }
0x8d: {  	vm1 =	veq.s32 v7, v1;
	[tilespmem:v9+s14+$0x0] =	vst.idx.add.f32.msk $0xffff, v12;
	v57 =	vmov s1;
	(v2sf) =	vpush v56, $0xF;
	s31 =	ssub.f32 $0.0e+00, s31  }
0x8e: {  	v7 =	vmov s28;
	v59 =	vld.idx.msk [tilespmem:v2+s26+$0x0 ss:$0x1], $0xffff;
	v58 =	vnsel vm1, $0x0, v57  }
0x8f: {  	vm2 =	veq.s32 v7, v1;
	v8 =	vadd.f32 v58, v8;
	v60 =	vmov s31  }
0x90: {  	v7 =	vnsel vm2, $0x0, v60  }
0x91: {  	v7 =	vadd.f32 v7, v8;
	_ =	sdelay $0x1  }
0x92: {  	v61 =	vmov s2;
	s2 =	ssub.f32 $0.0e+00, s12;
	v7 =	vadd.f32 v59, v7  }
0x93: {  	s12 =	spop (v2sf);
	v8 =	vnsel vm0, $0x0, v61  }
0x94: {  	v62 =	vmov s2;
	s28 =	ssub.f32 $0.0e+00, s12;
	v5 =	vadd.f32 v8, v5;
	[tilespmem:v2+s26+$0x0 ss:$0x1] =	vst.idx.msk $0xffff, v7  }
0x95: {  	v7 =	vnsel vm1, $0x0, v62;
	v63 =	vld.idx.msk [tilespmem:v3+s26+$0x0 ss:$0x1], $0xffff  }
0x96: {  	v5 =	vadd.f32 v7, v5;
	v7 =	vmov s28  }
0x97: {  	v7 =	vnsel vm2, $0x0, v7  }
0x98: {  	s0 =	ssub.f32 $0.0e+00, s0;
	v5 =	vadd.f32 v7, v5;
	_ =	sdelay $0x1  }
0x99: {  	s29 =	ssub.f32 $0.0e+00, s30;
	v7 =	vmov s0;
	v5 =	vadd.f32 v63, v5  }
0x9a: {  	s30 =	spop (v2sf);
	v7 =	vnsel vm0, $0x0, v7  }
0x9b: {  	s31 =	ssub.f32 $0.0e+00, s30;
	v6 =	vadd.f32 v7, v6;
	v7 =	vmov s29;
	[tilespmem:v3+s26+$0x0 ss:$0x1] =	vst.idx.msk $0xffff, v5  }
0x9c: {  	v5 =	vnsel vm1, $0x0, v7;
	v7 =	vld.idx.msk [tilespmem:v4+s26+$0x0 ss:$0x1], $0xffff  }
0x9d: {  	s25 =	sadd.s32 $0x1, s25;
	v5 =	vadd.f32 v5, v6;
	v6 =	vmov s31  }
0x9e: {  	p0 =	sne.s32 s25, $0x8;
	v6 =	vnsel vm2, $0x0, v6  }
.Ltmp2:
0x9f: {  	v5 =	vadd.f32 v6, v5;
	(pc) =	sbr.rel @p0 .LBB2_4-.Ltmp2, $3  }
0xa0: {  	_ = 	snop  }
0xa1: {  	v5 =	vadd.f32 v7, v5;
	_ =	sdelay $0x1  }
0xa2: {  	s24 =	sadd.s32 $0x100, s24;
	s22 =	sadd.s32 $0x100, s22;
	s23 =	sadd.s32 $0x10, s23;
	[tilespmem:v4+s26+$0x0 ss:$0x1] =	vst.idx.msk $0xffff, v5  }
0xa3: {  	[spmem:s6] =	stream.strided.scatter [tilespmem:s14], [sflag:$0x1], $0x3000, s16, s15, $0x38;
	[tilespmem:$0xA600] =	vst v63  }
0xa4: {  	_ =	swait.ge [sflag:s11], $0x3000  }
0xa5: {  	[sflag:s11] =	ssyncset.done $0x0  }
0xa6: {  	[sflag:s11] =	ssyncadd.s32 $0xFFFFD000  }
0xa7: {  	[bflag:$0x0] =	sbarrier.arrive $0xFFFF  }
0xa8: {  	[tilespmem:$0x7300] =	vst v0  }
0xa9: {  	[tilespmem:$0x7310] =	vst v0  }
0xaa: {  	[tilespmem:$0x7320] =	vst v0  }
0xab: {  	[tilespmem:$0x7330] =	vst v0  }
0xac: {  	[tilespmem:$0x7340] =	vst v0  }
0xad: {  	[tilespmem:$0x7350] =	vst v0  }
0xae: {  	[tilespmem:$0x7360] =	vst v0  }
0xaf: {  	[tilespmem:$0x7370] =	vst v0  }
0xb0: {  	[tilespmem:$0x7380] =	vst v0  }
0xb1: {  	[tilespmem:$0x7390] =	vst v0  }
0xb2: {  	[tilespmem:$0x73A0] =	vst v0  }
0xb3: {  	[tilespmem:$0x73B0] =	vst v0  }
0xb4: {  	[tilespmem:$0x73C0] =	vst v0  }
0xb5: {  	[tilespmem:$0x73D0] =	vst v0  }
0xb6: {  	[tilespmem:$0x73E0] =	vst v0  }
0xb7: {  	[tilespmem:$0x73F0] =	vst v0  }
0xb8: {  	[tilespmem:$0x7400] =	vst v0  }
0xb9: {  	[tilespmem:$0x7410] =	vst v0  }
0xba: {  	[tilespmem:$0x7420] =	vst v0  }
0xbb: {  	[tilespmem:$0x7430] =	vst v0  }
0xbc: {  	[tilespmem:$0x7440] =	vst v0  }
0xbd: {  	[tilespmem:$0x7450] =	vst v0  }
0xbe: {  	[tilespmem:$0x7460] =	vst v0  }
0xbf: {  	[tilespmem:$0x7470] =	vst v0  }
0xc0: {  	[tilespmem:$0x7480] =	vst v0  }
0xc1: {  	[tilespmem:$0x7490] =	vst v0  }
0xc2: {  	[tilespmem:$0x74A0] =	vst v0  }
0xc3: {  	[tilespmem:$0x74B0] =	vst v0  }
0xc4: {  	[tilespmem:$0x74C0] =	vst v0  }
0xc5: {  	[tilespmem:$0x74D0] =	vst v0  }
0xc6: {  	[tilespmem:$0x74E0] =	vst v0  }
0xc7: {  	[tilespmem:$0x74F0] =	vst v0  }
0xc8: {  	[tilespmem:$0x7500] =	vst v0  }
0xc9: {  	[tilespmem:$0x7510] =	vst v0  }
0xca: {  	[tilespmem:$0x7520] =	vst v0  }
0xcb: {  	[tilespmem:$0x7530] =	vst v0  }
0xcc: {  	[tilespmem:$0x7540] =	vst v0  }
0xcd: {  	[tilespmem:$0x7550] =	vst v0  }
0xce: {  	[tilespmem:$0x7560] =	vst v0  }
0xcf: {  	[tilespmem:$0x7570] =	vst v0  }
0xd0: {  	[tilespmem:$0x7580] =	vst v0  }
0xd1: {  	[tilespmem:$0x7590] =	vst v0  }
0xd2: {  	[tilespmem:$0x75A0] =	vst v0  }
0xd3: {  	[tilespmem:$0x75B0] =	vst v0  }
0xd4: {  	[tilespmem:$0x75C0] =	vst v0  }
0xd5: {  	[tilespmem:$0x75D0] =	vst v0  }
0xd6: {  	[tilespmem:$0x75E0] =	vst v0  }
0xd7: {  	s0 =	simm.s32 $0x0;
	[tilespmem:$0x75F0] =	vst v0  }
.LBB2_8:
0xd8: {  	s1 =	sshrl.u32 s0, $0x3  }
0xd9: {  	s1 =	smul.u32 $0x60000, s1;
	_ =	sdelay $0x1  }
0xda: {  	s2 =	sshll.u32 s0, $0x7;
	s1 =	sshra.s32 s1, $0x2  }
0xdb: {  	s2 =	sand.u32 $0x380, s2;
	s1 =	sadd.s32 s1, s7  }
0xdc: {  	s1 =	sadd.s32 s2, s1  }
0xdd: {  	[tilespmem:s17], [sflag:$0x1] =	stream.strided.gather [spmem:s1], $0x300, s16, s15, $0x38;
	[tilespmem:$0xA600] =	vst v63  }
0xde: {  	_ =	swait.ge [sflag:s11], $0x300  }
0xdf: {  	[sflag:s11] =	ssyncset.done $0x0  }
0xe0: {  	s2 =	simm.s32 $0x0;
	[sflag:s11] =	ssyncadd.s32 $0xFFFFFD00  }
0xe1: {  	s21 =	simm.s32 $0x40;
	v5 =	vld [tilespmem:s2+$0x7000]  }
.LBB2_9:
0xe2: {  	p0 =	sne.s32 s21, $0xBC0;
	v6 =	vld [tilespmem:s2+$0x7300];
	_ =	sdelay $0x2  }
.Ltmp3:
0xe3: {  	(pc) =	sbr.rel @p0 .LBB2_9-.Ltmp3, $4  }
0xe4: {  	_ = 	snop  }
0xe5: {  	v6 =	vadd.f32 v5, v6  }
0xe6: {  	s1 =	sshra.s32 s21, $0x2  }
0xe7: {  	s21 =	sadd.s32 $0x40, s21;
	v5 =	vld [tilespmem:s1+$0x7000];
	[tilespmem:s2+$0x7300] =	vst v6;
	s2 =	smov.u32 s1  }
0xe8: {  	v6 =	vld [tilespmem:s2+$0x7300]  }
0xe9: {  	s0 =	sadd.s32 $0x1, s0  }
0xea: {  	p0 =	sne.s32 s0, $0x10  }
.Ltmp4:
0xeb: {  	_ = 	snop;
	(pc) =	sbr.rel @p0 .LBB2_8-.Ltmp4, $3  }
0xec: {  	_ = 	snop  }
0xed: {  	v5 =	vadd.f32 v5, v6;
	_ =	sdelay $0x1  }
0xee: {  	[tilespmem:s2+$0x7300] =	vst v5  }
0xef: {  	s20 =	sadd.s32 $0x1, s20  }
0xf0: {  	p0 =	sne.s32 s20, s9  }
.Ltmp5:
0xf1: {  	_ = 	snop;
	(pc) =	sbr.rel @p0 .LBB2_1-.Ltmp5, $4  }
0xf2: {  	[hbm4b:s8+s15] =	stream.strided.scatter [tilespmem:s19], [sflag:$0x1], $0x300, s18, s15, $0x38;
	[tilespmem:$0xA600] =	vst v63  }
0xf3: {  	_ =	swait.ge [sflag:s11], $0x300  }
0xf4: {  	[sflag:s11] =	ssyncset.done $0x0  }
0xf5: {  	[sflag:s11] =	ssyncadd.s32 $0xFFFFFD00  }
0xf6: {  	_ =	sfence.sel $0x180000  }
0xf7: {  	[bflag:$0x0] =	sbarrier.arrive $0xFFFF  }
0xf8: {  	_ =	strace $0x90000047  }
0xf9: {  	s0 =	stileid.u32;
	[bflag:$0x2] =	sbarrier.arrive $0xFFFF  }
0xfa: {  	p0 =	sne.s32 s0, $0x0;
	s0 =	rddreg [dreg:$0x5]  }
0xfb: {  	s0 =	sadd.s32 @!p0 $0x100000, s0  }
0xfc: {  	[sflag:s0] =	ssyncadd.tile.s32 @!p0 $0x1;
	_ =	shalt  }
.Lfunc_end2:
_tile_overlayer_lowered:
.L_overlay_start_2:
0xfd: {  	(tag) =	ssettag $0x2  }
0xfe: {  	s0 =	rddreg [dreg:$0x0];
	s2 =	stileid.u32  }
0xff: {  	s1 =	rddreg [dreg:$0x1];
	p0 =	sne.s32 s2, $0x0  }
0x100: {  	s3 =	rddreg [dreg:$0x2];
	[bflag:$0x3] =	sbarrier.arrive $0xFFFF;
	s2 =	simm.s32 @!p0 $0x1C01  }
0x101: {  	[timem:s3], [sflag:s2] =	dma.local @!p0 [hbm:s0], s1  }
0x102: {  	s0 =	simm.s32 @!p0 $0x1  }
0x103: {  	_ =	swait.ge @!p0 [sflag:s0], s1  }
0x104: {  	s1 =	ssub.s32 @!p0 $0x0, s1;
	[sflag:s0] =	ssyncset.done @!p0 $0x0  }
0x105: {  	[sflag:s0] =	ssyncadd.s32 @!p0 s1  }
0x106: {  	[bflag:$0x3] =	sbarrier.arrive $0xFFFF  }
0x107: {  	_ =	shalt  }

</sc_bundles>
